<compile_context>
chip_gen: v7x
topology: tpu7x:2x2x1
jax: 0.10.2.dev20260603
libtpu: 0.0.44.dev20260713+nightly
codegen_flags: <defaults>
</compile_context>

<pallas_src>
import functools

import jax
import jax.numpy as jnp
from jax import lax
from jax.experimental import pallas as pl
from jax.experimental.pallas import tpu as pltpu
from jax.experimental.pallas import tpu_sc as plsc


_S = 256000
_QC = 2048


def _quadpack_body(x0, x1, x2, x3, eye_ref, o_ref, *, n):
    k = pl.program_id(0)
    col = 3 * _S + k * _QC + lax.broadcasted_iota(jnp.int32, (32, _QC), 1)
    x3v = jnp.where(col < n, x3[...], 0.0)
    xbig = jnp.concatenate([x0[...], x1[...], x2[...], x3v], axis=0)
    o_ref[...] = lax.dot_general(xbig, eye_ref[...], (((0,), (0,)), ((), ())),
                                 precision=lax.Precision.HIGHEST,
                                 preferred_element_type=jnp.float32)


def _tc_quadpack(tT):
    N = tT.shape[1]
    nb = _S // _QC
    maxb = (N - 1) // _QC
    spec = lambda s: pl.BlockSpec(
        (32, _QC), lambda k, s=s: (0, jnp.minimum(s * nb + k, maxb)))
    return pl.pallas_call(
        functools.partial(_quadpack_body, n=N),
        grid=(nb,),
        in_specs=[spec(0), spec(1), spec(2), spec(3),
                  pl.BlockSpec((128, 128), lambda k: (0, 0))],
        out_specs=pl.BlockSpec((_QC, 128), lambda k: (k, 0)),
        out_shape=jax.ShapeDtypeStruct((_S, 128), jnp.float32),
    )(tT, tT, tT, tT, jnp.eye(128, dtype=jnp.float32))


def _sc_gather(idxr_u, idxr_b, tbl_u, tbl_b):
    B = idxr_u.shape[0]
    info = plsc.get_sparse_core_info()
    NW = info.num_cores * info.num_subcores
    bpw = B // NW
    mesh = plsc.VectorSubcoreMesh(core_axis_name="c", subcore_axis_name="s")

    @functools.partial(
        pl.kernel,
        mesh=mesh,
        out_type=(
            jax.ShapeDtypeStruct((B, 128), jnp.float32),
            jax.ShapeDtypeStruct((B, 128), jnp.float32),
        ),
        scratch_types=[
            pltpu.VMEM((bpw,), jnp.int32),
            pltpu.VMEM((bpw, 128), jnp.float32),
            pltpu.SemaphoreType.DMA,
        ],
    )
    def gk(iu_h, ib_h, tu_h, tb_h, u4_o, b4_o, idx_v, rows_v, sem):
        wid = lax.axis_index("s") * info.num_cores + lax.axis_index("c")
        base = pl.multiple_of(wid * bpw, bpw)
        pltpu.sync_copy(iu_h.at[pl.ds(base, bpw)], idx_v)
        pltpu.async_copy(tu_h.at[idx_v], rows_v, sem).wait()
        pltpu.sync_copy(rows_v, u4_o.at[pl.ds(base, bpw)])
        pltpu.sync_copy(ib_h.at[pl.ds(base, bpw)], idx_v)
        pltpu.async_copy(tb_h.at[idx_v], rows_v, sem).wait()
        pltpu.sync_copy(rows_v, b4_o.at[pl.ds(base, bpw)])

    return gk(idxr_u, idxr_b, tbl_u, tbl_b)


def _mlp_body(u4, b4, qu, qb, gu, gb, b1, w2, b2, wo, bo, out):
    x_u = u4[...]
    x_b = b4[...]
    h = b1[...] + jnp.zeros_like(x_u[:, :1])
    for q in range(4):
        mu = (qu[...] == q).astype(jnp.float32)
        mb = (qb[...] == q).astype(jnp.float32)
        h = h + mu * jnp.dot(x_u, gu[q * 128:(q + 1) * 128, :],
                             preferred_element_type=jnp.float32)
        h = h + mb * jnp.dot(x_b, gb[q * 128:(q + 1) * 128, :],
                             preferred_element_type=jnp.float32)
    h = jnp.maximum(h, 0.0)
    h = jnp.dot(h, w2[...], preferred_element_type=jnp.float32)
    h = jnp.maximum(h + b2[...], 0.0)
    o = jnp.sum(h * wo[...], axis=1, keepdims=True) + bo[...]
    out[...] = jax.nn.sigmoid(o)


def _tc_mlp(u4, b4, qu, qb, Gu, Gb, b1, W2, b2, Wout, bout, blk=2048):
    B = u4.shape[0]
    H1 = W2.shape[1]
    H2 = W2.shape[0]
    w2 = W2.T
    full = lambda shape: pl.BlockSpec(shape, lambda i: (0, 0))
    return pl.pallas_call(
        _mlp_body,
        grid=(B // blk,),
        in_specs=[
            pl.BlockSpec((blk, 128), lambda i: (i, 0)),
            pl.BlockSpec((blk, 128), lambda i: (i, 0)),
            pl.BlockSpec((blk, 1), lambda i: (i, 0)),
            pl.BlockSpec((blk, 1), lambda i: (i, 0)),
            full((512, H1)),
            full((512, H1)),
            full((1, H1)),
            full((H1, H2)),
            full((1, H2)),
            full((1, H2)),
            full((1, 1)),
        ],
        out_specs=pl.BlockSpec((blk, 1), lambda i: (i, 0)),
        out_shape=jax.ShapeDtypeStruct((B, 1), jnp.float32),
    )(u4, b4, qu, qb, Gu, Gb, b1.reshape(1, H1), w2, b2.reshape(1, H2),
      Wout, bout.reshape(1, 1))


def _shifted_w(w_half):
    H1 = w_half.shape[1]
    g = jnp.zeros((4, 4, 32, H1), jnp.float32)
    for q in range(4):
        g = g.at[q, q].set(w_half)
    return g.reshape(512, H1)


def kernel(user, book, user_table, book_table, W1, b1, W2, b2, Wout, bout):
    B = user.shape[0]
    E = user_table.shape[1]
    user = user.astype(jnp.int32)
    book = book.astype(jnp.int32)
    tbl_u = user_table.reshape(-1, 4 * E)
    tbl_b = book_table.reshape(-1, 4 * E)
    u4, b4 = _sc_gather(user // 4, book // 4, tbl_u, tbl_b)
    qu = (user % 4).reshape(B, 1)
    qb = (book % 4).reshape(B, 1)
    Gu = _shifted_w(W1[:, :E].T)
    Gb = _shifted_w(W1[:, E:].T)
    return _tc_mlp(u4, b4, qu, qb, Gu, Gb, b1, W2, b2, Wout, bout)

# --- scband reference (transcript-rebuilt; emitter-appended) ---
"""Pipeline reference for scband-neural-collaborative-filtering-42709154791525 (READ-ONLY COPY).

The authoritative reference and input builder live on the scoring server;
editing this copy changes nothing except your own understanding.
"""

import jax, jax.numpy as jnp
import numpy as np

NUM_USERS = 1000000
NUM_BOOKS = 1000000
EMB = 32
BATCH = 16384
H1 = 64
H2 = 32


def setup_inputs(seed: int = 0) -> dict:
    key = jax.random.key(seed)
    ks = jax.random.split(key, 12)
    user = jax.random.randint(ks[0], (BATCH,), 0, NUM_USERS, dtype=jnp.int64 if jax.config.jax_enable_x64 else jnp.int32)
    book = jax.random.randint(ks[1], (BATCH,), 0, NUM_BOOKS, dtype=jnp.int64 if jax.config.jax_enable_x64 else jnp.int32)
    user_table = jax.random.normal(ks[2], (NUM_USERS, EMB), dtype=jnp.float32)
    book_table = jax.random.normal(ks[3], (NUM_BOOKS, EMB), dtype=jnp.float32)
    # torch nn.Linear weights: [out, in], y = x @ W.T + b
    W1 = jax.random.normal(ks[4], (H1, 2 * EMB), dtype=jnp.float32) * (1.0 / np.sqrt(2 * EMB))
    b1 = jax.random.normal(ks[5], (H1,), dtype=jnp.float32) * 0.01
    W2 = jax.random.normal(ks[6], (H2, H1), dtype=jnp.float32) * (1.0 / np.sqrt(H1))
    b2 = jax.random.normal(ks[7], (H2,), dtype=jnp.float32) * 0.01
    Wout = jax.random.normal(ks[8], (1, H2), dtype=jnp.float32) * (1.0 / np.sqrt(H2))
    bout = jax.random.normal(ks[9], (1,), dtype=jnp.float32) * 0.01
    return {
        "user": user,
        "book": book,
        "user_table": user_table,
        "book_table": book_table,
        "W1": W1,
        "b1": b1,
        "W2": W2,
        "b2": b2,
        "Wout": Wout,
        "bout": bout,
    }


def reference(user, book, user_table, book_table, W1, b1, W2, b2, Wout, bout):
    user_emb = jnp.take(user_table, user, axis=0)
    book_emb = jnp.take(book_table, book, axis=0)
    x = jnp.concatenate([user_emb, book_emb], axis=-1)
    x = jax.nn.relu(x @ W1.T + b1)
    x = jax.nn.relu(x @ W2.T + b2)
    out = jax.nn.sigmoid(x @ Wout.T + bout)
    return out

if __name__ == "__main__":
    import jax
    _d = setup_inputs()
    print(jax.jit(kernel)(*tuple(_d.values())))

</pallas_src>

<mosaic_0001>
#map = affine_map<(d0, d1) -> (0)>
#map1 = affine_map<(d0, d1) -> (0, 0)>
module attributes {stable_mosaic.version = 14 : i64} {
  func.func @gk(%arg0: i32, %arg1: i32, %arg2: memref<16384xi32, #tpu.memory_space<hbm>>, %arg3: memref<16384xi32, #tpu.memory_space<hbm>>, %arg4: memref<250000x128xf32, #tpu.memory_space<hbm>>, %arg5: memref<250000x128xf32, #tpu.memory_space<hbm>>, %arg6: memref<16384x128xf32, #tpu.memory_space<hbm>>, %arg7: memref<16384x128xf32, #tpu.memory_space<hbm>>, %arg8: memref<512xi32, #tpu.memory_space<vmem>>, %arg9: memref<512x128xf32, #tpu.memory_space<vmem>>, %arg10: memref<!tpu.dma_semaphore, #tpu.memory_space<semaphore_mem>>) attributes {dimension_semantics = [#tpu.dimension_semantics<core_parallel>, #tpu.dimension_semantics<subcore_parallel>], iteration_bounds = array<i64: 2, 16>, scalar_prefetch = 0 : i64, scratch_operands = 3 : i64, tpu.core_type = #tpu.core_type<sc_vector_subcore>, window_params = [{transform_indices = #map}, {transform_indices = #map}, {transform_indices = #map1}, {transform_indices = #map1}, {transform_indices = #map1}, {transform_indices = #map1}]} {
    %mul3A = arith.constant 2 : i32
    %mul3A_0 = arith.muli %arg1, %mul3A : i32
    %add3A = arith.addi %mul3A_0, %arg0 : i32
    %mul3A_1 = arith.constant 512 : i32
    %mul3A_2 = arith.muli %add3A, %mul3A_1 : i32
    %multiple_of3A = tpu.assume_multiple %mul3A_2, 512 : i32
    "tpu.region"() ({
      %run_scoped3A = tpu.sem_alloc : memref<!tpu.dma_semaphore, #tpu.memory_space<semaphore_mem>>
      %dma_start3A_13 = tpu.memref_slice %arg2[%multiple_of3A] : memref<16384xi32, #tpu.memory_space<hbm>> -> memref<512xi32, #tpu.memory_space<hbm>>
      %dma_start3A_14 = tpu.memref_slice %arg2[%multiple_of3A] : memref<16384xi32, #tpu.memory_space<hbm>> -> memref<512xi32, #tpu.memory_space<hbm>>
      tpu.enqueue_dma source(%dma_start3A_14 : memref<512xi32, #tpu.memory_space<hbm>>) target(%arg8 : memref<512xi32, #tpu.memory_space<vmem>>) target_semaphore(%run_scoped3A : memref<!tpu.dma_semaphore, #tpu.memory_space<semaphore_mem>>)
      %dma_wait3A_15 = tpu.memref_slice %arg2[%multiple_of3A] : memref<16384xi32, #tpu.memory_space<hbm>> -> memref<512xi32, #tpu.memory_space<hbm>>
      %dma_wait3A_16 = tpu.memref_slice %arg2[%multiple_of3A] : memref<16384xi32, #tpu.memory_space<hbm>> -> memref<512xi32, #tpu.memory_space<hbm>>
      tpu.wait_dma2 semaphore(%run_scoped3A : memref<!tpu.dma_semaphore, #tpu.memory_space<semaphore_mem>>) src(%dma_wait3A_16 : memref<512xi32, #tpu.memory_space<hbm>>) dst(%arg8 : memref<512xi32, #tpu.memory_space<vmem>>)
      tpu.yield
    }) : () -> ()
    %dma_start3A = arith.constant 0 : i32
    %dma_start3A_3 = arith.constant 0 : i32
    %dma_start3A_4 = tpu.memref_slice %arg4[%dma_start3A, %dma_start3A_3] : memref<250000x128xf32, #tpu.memory_space<hbm>> -> memref<250000x128xf32, #tpu.memory_space<hbm>>
    tpu.enqueue_indirect_dma source(%dma_start3A_4 : memref<250000x128xf32, #tpu.memory_space<hbm>>) target(%arg9 : memref<512x128xf32, #tpu.memory_space<vmem>>) offsets(%arg8 : memref<512xi32, #tpu.memory_space<vmem>>) semaphore(%arg10 : memref<!tpu.dma_semaphore, #tpu.memory_space<semaphore_mem>>)
    %dma_wait3A = arith.constant 0 : i32
    %dma_wait3A_5 = arith.constant 0 : i32
    %dma_wait3A_6 = tpu.memref_slice %arg4[%dma_wait3A, %dma_wait3A_5] : memref<250000x128xf32, #tpu.memory_space<hbm>> -> memref<250000x128xf32, #tpu.memory_space<hbm>>
    tpu.wait_indirect_dma semaphore(%arg10 : memref<!tpu.dma_semaphore, #tpu.memory_space<semaphore_mem>>) src(%dma_wait3A_6 : memref<250000x128xf32, #tpu.memory_space<hbm>>) dst(%arg9 : memref<512x128xf32, #tpu.memory_space<vmem>>)
    "tpu.region"() ({
      %run_scoped3A = tpu.sem_alloc : memref<!tpu.dma_semaphore, #tpu.memory_space<semaphore_mem>>
      %dma_start3A_13 = arith.constant 0 : i32
      %dma_start3A_14 = tpu.memref_slice %arg6[%multiple_of3A, %dma_start3A_13] : memref<16384x128xf32, #tpu.memory_space<hbm>> -> memref<512x128xf32, #tpu.memory_space<hbm>>
      %dma_start3A_15 = arith.constant 0 : i32
      %dma_start3A_16 = tpu.memref_slice %arg6[%multiple_of3A, %dma_start3A_15] : memref<16384x128xf32, #tpu.memory_space<hbm>> -> memref<512x128xf32, #tpu.memory_space<hbm>>
      tpu.enqueue_dma source(%arg9 : memref<512x128xf32, #tpu.memory_space<vmem>>) target(%dma_start3A_16 : memref<512x128xf32, #tpu.memory_space<hbm>>) target_semaphore(%run_scoped3A : memref<!tpu.dma_semaphore, #tpu.memory_space<semaphore_mem>>)
      %dma_wait3A_17 = arith.constant 0 : i32
      %dma_wait3A_18 = tpu.memref_slice %arg6[%multiple_of3A, %dma_wait3A_17] : memref<16384x128xf32, #tpu.memory_space<hbm>> -> memref<512x128xf32, #tpu.memory_space<hbm>>
      %dma_wait3A_19 = arith.constant 0 : i32
      %dma_wait3A_20 = tpu.memref_slice %arg6[%multiple_of3A, %dma_wait3A_19] : memref<16384x128xf32, #tpu.memory_space<hbm>> -> memref<512x128xf32, #tpu.memory_space<hbm>>
      tpu.wait_dma2 semaphore(%run_scoped3A : memref<!tpu.dma_semaphore, #tpu.memory_space<semaphore_mem>>) src(%arg9 : memref<512x128xf32, #tpu.memory_space<vmem>>) dst(%dma_wait3A_20 : memref<512x128xf32, #tpu.memory_space<hbm>>)
      tpu.yield
    }) : () -> ()
    "tpu.region"() ({
      %run_scoped3A = tpu.sem_alloc : memref<!tpu.dma_semaphore, #tpu.memory_space<semaphore_mem>>
      %dma_start3A_13 = tpu.memref_slice %arg3[%multiple_of3A] : memref<16384xi32, #tpu.memory_space<hbm>> -> memref<512xi32, #tpu.memory_space<hbm>>
      %dma_start3A_14 = tpu.memref_slice %arg3[%multiple_of3A] : memref<16384xi32, #tpu.memory_space<hbm>> -> memref<512xi32, #tpu.memory_space<hbm>>
      tpu.enqueue_dma source(%dma_start3A_14 : memref<512xi32, #tpu.memory_space<hbm>>) target(%arg8 : memref<512xi32, #tpu.memory_space<vmem>>) target_semaphore(%run_scoped3A : memref<!tpu.dma_semaphore, #tpu.memory_space<semaphore_mem>>)
      %dma_wait3A_15 = tpu.memref_slice %arg3[%multiple_of3A] : memref<16384xi32, #tpu.memory_space<hbm>> -> memref<512xi32, #tpu.memory_space<hbm>>
      %dma_wait3A_16 = tpu.memref_slice %arg3[%multiple_of3A] : memref<16384xi32, #tpu.memory_space<hbm>> -> memref<512xi32, #tpu.memory_space<hbm>>
      tpu.wait_dma2 semaphore(%run_scoped3A : memref<!tpu.dma_semaphore, #tpu.memory_space<semaphore_mem>>) src(%dma_wait3A_16 : memref<512xi32, #tpu.memory_space<hbm>>) dst(%arg8 : memref<512xi32, #tpu.memory_space<vmem>>)
      tpu.yield
    }) : () -> ()
    %dma_start3A_7 = arith.constant 0 : i32
    %dma_start3A_8 = arith.constant 0 : i32
    %dma_start3A_9 = tpu.memref_slice %arg5[%dma_start3A_7, %dma_start3A_8] : memref<250000x128xf32, #tpu.memory_space<hbm>> -> memref<250000x128xf32, #tpu.memory_space<hbm>>
    tpu.enqueue_indirect_dma source(%dma_start3A_9 : memref<250000x128xf32, #tpu.memory_space<hbm>>) target(%arg9 : memref<512x128xf32, #tpu.memory_space<vmem>>) offsets(%arg8 : memref<512xi32, #tpu.memory_space<vmem>>) semaphore(%arg10 : memref<!tpu.dma_semaphore, #tpu.memory_space<semaphore_mem>>)
    %dma_wait3A_10 = arith.constant 0 : i32
    %dma_wait3A_11 = arith.constant 0 : i32
    %dma_wait3A_12 = tpu.memref_slice %arg5[%dma_wait3A_10, %dma_wait3A_11] : memref<250000x128xf32, #tpu.memory_space<hbm>> -> memref<250000x128xf32, #tpu.memory_space<hbm>>
    tpu.wait_indirect_dma semaphore(%arg10 : memref<!tpu.dma_semaphore, #tpu.memory_space<semaphore_mem>>) src(%dma_wait3A_12 : memref<250000x128xf32, #tpu.memory_space<hbm>>) dst(%arg9 : memref<512x128xf32, #tpu.memory_space<vmem>>)
    "tpu.region"() ({
      %run_scoped3A = tpu.sem_alloc : memref<!tpu.dma_semaphore, #tpu.memory_space<semaphore_mem>>
      %dma_start3A_13 = arith.constant 0 : i32
      %dma_start3A_14 = tpu.memref_slice %arg7[%multiple_of3A, %dma_start3A_13] : memref<16384x128xf32, #tpu.memory_space<hbm>> -> memref<512x128xf32, #tpu.memory_space<hbm>>
      %dma_start3A_15 = arith.constant 0 : i32
      %dma_start3A_16 = tpu.memref_slice %arg7[%multiple_of3A, %dma_start3A_15] : memref<16384x128xf32, #tpu.memory_space<hbm>> -> memref<512x128xf32, #tpu.memory_space<hbm>>
      tpu.enqueue_dma source(%arg9 : memref<512x128xf32, #tpu.memory_space<vmem>>) target(%dma_start3A_16 : memref<512x128xf32, #tpu.memory_space<hbm>>) target_semaphore(%run_scoped3A : memref<!tpu.dma_semaphore, #tpu.memory_space<semaphore_mem>>)
      %dma_wait3A_17 = arith.constant 0 : i32
      %dma_wait3A_18 = tpu.memref_slice %arg7[%multiple_of3A, %dma_wait3A_17] : memref<16384x128xf32, #tpu.memory_space<hbm>> -> memref<512x128xf32, #tpu.memory_space<hbm>>
      %dma_wait3A_19 = arith.constant 0 : i32
      %dma_wait3A_20 = tpu.memref_slice %arg7[%multiple_of3A, %dma_wait3A_19] : memref<16384x128xf32, #tpu.memory_space<hbm>> -> memref<512x128xf32, #tpu.memory_space<hbm>>
      tpu.wait_dma2 semaphore(%run_scoped3A : memref<!tpu.dma_semaphore, #tpu.memory_space<semaphore_mem>>) src(%arg9 : memref<512x128xf32, #tpu.memory_space<vmem>>) dst(%dma_wait3A_20 : memref<512x128xf32, #tpu.memory_space<hbm>>)
      tpu.yield
    }) : () -> ()
    return
  }
}

module attributes {stable_mosaic.version = 14 : i64} {
  func.func @_mlp_body(%arg0: i32, %arg1: memref<2048x128xf32, #tpu.memory_space<vmem>>, %arg2: memref<2048x128xf32, #tpu.memory_space<vmem>>, %arg3: memref<2048x1xi32, #tpu.memory_space<vmem>>, %arg4: memref<2048x1xi32, #tpu.memory_space<vmem>>, %arg5: memref<512x64xf32, #tpu.memory_space<vmem>>, %arg6: memref<512x64xf32, #tpu.memory_space<vmem>>, %arg7: memref<1x64xf32, #tpu.memory_space<vmem>>, %arg8: memref<64x32xf32, #tpu.memory_space<vmem>>, %arg9: memref<1x32xf32, #tpu.memory_space<vmem>>, %arg10: memref<1x32xf32, #tpu.memory_space<vmem>>, %arg11: memref<1x1xf32, #tpu.memory_space<vmem>>, %arg12: memref<2048x1xf32, #tpu.memory_space<vmem>>) attributes {dimension_semantics = [#tpu.dimension_semantics<arbitrary>], iteration_bounds = array<i64: 8>, scalar_prefetch = 0 : i64, scratch_operands = 0 : i64, tpu.core_type = #tpu.core_type<tc>, window_params = [{transform_indices = @transform_0, window_bounds = array<i64: 2048, 128>}, {transform_indices = @transform_1, window_bounds = array<i64: 2048, 128>}, {transform_indices = @transform_2, window_bounds = array<i64: 2048, 1>}, {transform_indices = @transform_3, window_bounds = array<i64: 2048, 1>}, {pipeline_mode = #tpu.pipeline_mode<synchronous>, transform_indices = @transform_4, window_bounds = array<i64: 512, 64>}, {pipeline_mode = #tpu.pipeline_mode<synchronous>, transform_indices = @transform_5, window_bounds = array<i64: 512, 64>}, {pipeline_mode = #tpu.pipeline_mode<synchronous>, transform_indices = @transform_6, window_bounds = array<i64: 1, 64>}, {pipeline_mode = #tpu.pipeline_mode<synchronous>, transform_indices = @transform_7, window_bounds = array<i64: 64, 32>}, {pipeline_mode = #tpu.pipeline_mode<synchronous>, transform_indices = @transform_8, window_bounds = array<i64: 1, 32>}, {pipeline_mode = #tpu.pipeline_mode<synchronous>, transform_indices = @transform_9, window_bounds = array<i64: 1, 32>}, {pipeline_mode = #tpu.pipeline_mode<synchronous>, transform_indices = @transform_10, window_bounds = array<i64: 1, 1>}, {transform_indices = @transform_11, window_bounds = array<i64: 2048, 1>}]} {
    %get3A = arith.constant 0 : index
    %get3A_0 = arith.constant 0 : index
    %get3A_1 = vector.load %arg1[%get3A, %get3A_0] : memref<2048x128xf32, #tpu.memory_space<vmem>>, vector<2048x128xf32>
    %get3A_2 = arith.constant 0 : index
    %get3A_3 = arith.constant 0 : index
    %get3A_4 = vector.load %arg2[%get3A_2, %get3A_3] : memref<2048x128xf32, #tpu.memory_space<vmem>>, vector<2048x128xf32>
    %get3A_5 = arith.constant 0 : index
    %get3A_6 = arith.constant 0 : index
    %get3A_7 = vector.load %arg7[%get3A_5, %get3A_6] : memref<1x64xf32, #tpu.memory_space<vmem>>, vector<1x64xf32>
    %broadcast_in_dim3A = arith.constant 0.000000e+00 : f32
    %broadcast_in_dim3A_8 = vector.broadcast %broadcast_in_dim3A : f32 to vector<2048x1xf32>
    %add3A = vector.broadcast %get3A_7 : vector<1x64xf32> to vector<2048x64xf32>
    %add3A_9 = vector.broadcast %broadcast_in_dim3A_8 : vector<2048x1xf32> to vector<2048x64xf32>
    %add3A_10 = arith.addf %add3A, %add3A_9 : vector<2048x64xf32>
    %get3A_11 = arith.constant 0 : index
    %get3A_12 = arith.constant 0 : index
    %get3A_13 = vector.load %arg3[%get3A_11, %get3A_12] : memref<2048x1xi32, #tpu.memory_space<vmem>>, vector<2048x1xi32>
    %eq3A = arith.constant 0 : i32
    %eq3A_14 = vector.broadcast %eq3A : i32 to vector<2048x1xi32>
    %eq3A_15 = arith.cmpi eq, %get3A_13, %eq3A_14 : vector<2048x1xi32>
    %convert_element_type3A = arith.extui %eq3A_15 : vector<2048x1xi1> to vector<2048x1xi32>
    %convert_element_type3A_16 = arith.sitofp %convert_element_type3A : vector<2048x1xi32> to vector<2048x1xf32>
    %get3A_17 = arith.constant 0 : index
    %get3A_18 = arith.constant 0 : index
    %get3A_19 = vector.load %arg4[%get3A_17, %get3A_18] : memref<2048x1xi32, #tpu.memory_space<vmem>>, vector<2048x1xi32>
    %eq3A_20 = arith.constant 0 : i32
    %eq3A_21 = vector.broadcast %eq3A_20 : i32 to vector<2048x1xi32>
    %eq3A_22 = arith.cmpi eq, %get3A_19, %eq3A_21 : vector<2048x1xi32>
    %convert_element_type3A_23 = arith.extui %eq3A_22 : vector<2048x1xi1> to vector<2048x1xi32>
    %convert_element_type3A_24 = arith.sitofp %convert_element_type3A_23 : vector<2048x1xi32> to vector<2048x1xf32>
    %get3A_25 = arith.constant 0 : index
    %get3A_26 = arith.constant 0 : index
    %get3A_27 = vector.load %arg5[%get3A_25, %get3A_26] : memref<512x64xf32, #tpu.memory_space<vmem>>, vector<128x64xf32>
    %dot_general3A = arith.constant dense<0.000000e+00> : vector<2048x64xf32>
    %dot_general3A_28 = tpu.matmul %get3A_1, %get3A_27, %dot_general3A {dimension_numbers = #tpu.dot_dimension_numbers<[1], [0], [0], [1], [0, 0, 1, 1], [], []>, transpose_lhs_hint = false} : vector<2048x128xf32>, vector<128x64xf32>, vector<2048x64xf32> -> vector<2048x64xf32>
    %mul3A = vector.broadcast %convert_element_type3A_16 : vector<2048x1xf32> to vector<2048x64xf32>
    %mul3A_29 = arith.mulf %mul3A, %dot_general3A_28 : vector<2048x64xf32>
    %add3A_30 = arith.addf %add3A_10, %mul3A_29 : vector<2048x64xf32>
    %get3A_31 = arith.constant 0 : index
    %get3A_32 = arith.constant 0 : index
    %get3A_33 = vector.load %arg6[%get3A_31, %get3A_32] : memref<512x64xf32, #tpu.memory_space<vmem>>, vector<128x64xf32>
    %dot_general3A_34 = arith.constant dense<0.000000e+00> : vector<2048x64xf32>
    %dot_general3A_35 = tpu.matmul %get3A_4, %get3A_33, %dot_general3A_34 {dimension_numbers = #tpu.dot_dimension_numbers<[1], [0], [0], [1], [0, 0, 1, 1], [], []>, transpose_lhs_hint = false} : vector<2048x128xf32>, vector<128x64xf32>, vector<2048x64xf32> -> vector<2048x64xf32>
    %mul3A_36 = vector.broadcast %convert_element_type3A_24 : vector<2048x1xf32> to vector<2048x64xf32>
    %mul3A_37 = arith.mulf %mul3A_36, %dot_general3A_35 : vector<2048x64xf32>
    %add3A_38 = arith.addf %add3A_30, %mul3A_37 : vector<2048x64xf32>
    %get3A_39 = arith.constant 0 : index
    %get3A_40 = arith.constant 0 : index
    %get3A_41 = vector.load %arg3[%get3A_39, %get3A_40] : memref<2048x1xi32, #tpu.memory_space<vmem>>, vector<2048x1xi32>
    %eq3A_42 = arith.constant 1 : i32
    %eq3A_43 = vector.broadcast %eq3A_42 : i32 to vector<2048x1xi32>
    %eq3A_44 = arith.cmpi eq, %get3A_41, %eq3A_43 : vector<2048x1xi32>
    %convert_element_type3A_45 = arith.extui %eq3A_44 : vector<2048x1xi1> to vector<2048x1xi32>
    %convert_element_type3A_46 = arith.sitofp %convert_element_type3A_45 : vector<2048x1xi32> to vector<2048x1xf32>
    %get3A_47 = arith.constant 0 : index
    %get3A_48 = arith.constant 0 : index
    %get3A_49 = vector.load %arg4[%get3A_47, %get3A_48] : memref<2048x1xi32, #tpu.memory_space<vmem>>, vector<2048x1xi32>
    %eq3A_50 = arith.constant 1 : i32
    %eq3A_51 = vector.broadcast %eq3A_50 : i32 to vector<2048x1xi32>
    %eq3A_52 = arith.cmpi eq, %get3A_49, %eq3A_51 : vector<2048x1xi32>
    %convert_element_type3A_53 = arith.extui %eq3A_52 : vector<2048x1xi1> to vector<2048x1xi32>
    %convert_element_type3A_54 = arith.sitofp %convert_element_type3A_53 : vector<2048x1xi32> to vector<2048x1xf32>
    %get3A_55 = arith.constant 128 : index
    %get3A_56 = arith.constant 0 : index
    %get3A_57 = vector.load %arg5[%get3A_55, %get3A_56] : memref<512x64xf32, #tpu.memory_space<vmem>>, vector<128x64xf32>
    %dot_general3A_58 = arith.constant dense<0.000000e+00> : vector<2048x64xf32>
    %dot_general3A_59 = tpu.matmul %get3A_1, %get3A_57, %dot_general3A_58 {dimension_numbers = #tpu.dot_dimension_numbers<[1], [0], [0], [1], [0, 0, 1, 1], [], []>, transpose_lhs_hint = false} : vector<2048x128xf32>, vector<128x64xf32>, vector<2048x64xf32> -> vector<2048x64xf32>
    %mul3A_60 = vector.broadcast %convert_element_type3A_46 : vector<2048x1xf32> to vector<2048x64xf32>
    %mul3A_61 = arith.mulf %mul3A_60, %dot_general3A_59 : vector<2048x64xf32>
    %add3A_62 = arith.addf %add3A_38, %mul3A_61 : vector<2048x64xf32>
    %get3A_63 = arith.constant 128 : index
    %get3A_64 = arith.constant 0 : index
    %get3A_65 = vector.load %arg6[%get3A_63, %get3A_64] : memref<512x64xf32, #tpu.memory_space<vmem>>, vector<128x64xf32>
    %dot_general3A_66 = arith.constant dense<0.000000e+00> : vector<2048x64xf32>
    %dot_general3A_67 = tpu.matmul %get3A_4, %get3A_65, %dot_general3A_66 {dimension_numbers = #tpu.dot_dimension_numbers<[1], [0], [0], [1], [0, 0, 1, 1], [], []>, transpose_lhs_hint = false} : vector<2048x128xf32>, vector<128x64xf32>, vector<2048x64xf32> -> vector<2048x64xf32>
    %mul3A_68 = vector.broadcast %convert_element_type3A_54 : vector<2048x1xf32> to vector<2048x64xf32>
    %mul3A_69 = arith.mulf %mul3A_68, %dot_general3A_67 : vector<2048x64xf32>
    %add3A_70 = arith.addf %add3A_62, %mul3A_69 : vector<2048x64xf32>
    %get3A_71 = arith.constant 0 : index
    %get3A_72 = arith.constant 0 : index
    %get3A_73 = vector.load %arg3[%get3A_71, %get3A_72] : memref<2048x1xi32, #tpu.memory_space<vmem>>, vector<2048x1xi32>
    %eq3A_74 = arith.constant 2 : i32
    %eq3A_75 = vector.broadcast %eq3A_74 : i32 to vector<2048x1xi32>
    %eq3A_76 = arith.cmpi eq, %get3A_73, %eq3A_75 : vector<2048x1xi32>
    %convert_element_type3A_77 = arith.extui %eq3A_76 : vector<2048x1xi1> to vector<2048x1xi32>
    %convert_element_type3A_78 = arith.sitofp %convert_element_type3A_77 : vector<2048x1xi32> to vector<2048x1xf32>
    %get3A_79 = arith.constant 0 : index
    %get3A_80 = arith.constant 0 : index
    %get3A_81 = vector.load %arg4[%get3A_79, %get3A_80] : memref<2048x1xi32, #tpu.memory_space<vmem>>, vector<2048x1xi32>
    %eq3A_82 = arith.constant 2 : i32
    %eq3A_83 = vector.broadcast %eq3A_82 : i32 to vector<2048x1xi32>
    %eq3A_84 = arith.cmpi eq, %get3A_81, %eq3A_83 : vector<2048x1xi32>
    %convert_element_type3A_85 = arith.extui %eq3A_84 : vector<2048x1xi1> to vector<2048x1xi32>
    %convert_element_type3A_86 = arith.sitofp %convert_element_type3A_85 : vector<2048x1xi32> to vector<2048x1xf32>
    %get3A_87 = arith.constant 256 : index
    %get3A_88 = arith.constant 0 : index
    %get3A_89 = vector.load %arg5[%get3A_87, %get3A_88] : memref<512x64xf32, #tpu.memory_space<vmem>>, vector<128x64xf32>
    %dot_general3A_90 = arith.constant dense<0.000000e+00> : vector<2048x64xf32>
    %dot_general3A_91 = tpu.matmul %get3A_1, %get3A_89, %dot_general3A_90 {dimension_numbers = #tpu.dot_dimension_numbers<[1], [0], [0], [1], [0, 0, 1, 1], [], []>, transpose_lhs_hint = false} : vector<2048x128xf32>, vector<128x64xf32>, vector<2048x64xf32> -> vector<2048x64xf32>
    %mul3A_92 = vector.broadcast %convert_element_type3A_78 : vector<2048x1xf32> to vector<2048x64xf32>
    %mul3A_93 = arith.mulf %mul3A_92, %dot_general3A_91 : vector<2048x64xf32>
    %add3A_94 = arith.addf %add3A_70, %mul3A_93 : vector<2048x64xf32>
    %get3A_95 = arith.constant 256 : index
    %get3A_96 = arith.constant 0 : index
    %get3A_97 = vector.load %arg6[%get3A_95, %get3A_96] : memref<512x64xf32, #tpu.memory_space<vmem>>, vector<128x64xf32>
    %dot_general3A_98 = arith.constant dense<0.000000e+00> : vector<2048x64xf32>
    %dot_general3A_99 = tpu.matmul %get3A_4, %get3A_97, %dot_general3A_98 {dimension_numbers = #tpu.dot_dimension_numbers<[1], [0], [0], [1], [0, 0, 1, 1], [], []>, transpose_lhs_hint = false} : vector<2048x128xf32>, vector<128x64xf32>, vector<2048x64xf32> -> vector<2048x64xf32>
    %mul3A_100 = vector.broadcast %convert_element_type3A_86 : vector<2048x1xf32> to vector<2048x64xf32>
    %mul3A_101 = arith.mulf %mul3A_100, %dot_general3A_99 : vector<2048x64xf32>
    %add3A_102 = arith.addf %add3A_94, %mul3A_101 : vector<2048x64xf32>
    %get3A_103 = arith.constant 0 : index
    %get3A_104 = arith.constant 0 : index
    %get3A_105 = vector.load %arg3[%get3A_103, %get3A_104] : memref<2048x1xi32, #tpu.memory_space<vmem>>, vector<2048x1xi32>
    %eq3A_106 = arith.constant 3 : i32
    %eq3A_107 = vector.broadcast %eq3A_106 : i32 to vector<2048x1xi32>
    %eq3A_108 = arith.cmpi eq, %get3A_105, %eq3A_107 : vector<2048x1xi32>
    %convert_element_type3A_109 = arith.extui %eq3A_108 : vector<2048x1xi1> to vector<2048x1xi32>
    %convert_element_type3A_110 = arith.sitofp %convert_element_type3A_109 : vector<2048x1xi32> to vector<2048x1xf32>
    %get3A_111 = arith.constant 0 : index
    %get3A_112 = arith.constant 0 : index
    %get3A_113 = vector.load %arg4[%get3A_111, %get3A_112] : memref<2048x1xi32, #tpu.memory_space<vmem>>, vector<2048x1xi32>
    %eq3A_114 = arith.constant 3 : i32
    %eq3A_115 = vector.broadcast %eq3A_114 : i32 to vector<2048x1xi32>
    %eq3A_116 = arith.cmpi eq, %get3A_113, %eq3A_115 : vector<2048x1xi32>
    %convert_element_type3A_117 = arith.extui %eq3A_116 : vector<2048x1xi1> to vector<2048x1xi32>
    %convert_element_type3A_118 = arith.sitofp %convert_element_type3A_117 : vector<2048x1xi32> to vector<2048x1xf32>
    %get3A_119 = arith.constant 384 : index
    %get3A_120 = arith.constant 0 : index
    %get3A_121 = vector.load %arg5[%get3A_119, %get3A_120] : memref<512x64xf32, #tpu.memory_space<vmem>>, vector<128x64xf32>
    %dot_general3A_122 = arith.constant dense<0.000000e+00> : vector<2048x64xf32>
    %dot_general3A_123 = tpu.matmul %get3A_1, %get3A_121, %dot_general3A_122 {dimension_numbers = #tpu.dot_dimension_numbers<[1], [0], [0], [1], [0, 0, 1, 1], [], []>, transpose_lhs_hint = false} : vector<2048x128xf32>, vector<128x64xf32>, vector<2048x64xf32> -> vector<2048x64xf32>
    %mul3A_124 = vector.broadcast %convert_element_type3A_110 : vector<2048x1xf32> to vector<2048x64xf32>
    %mul3A_125 = arith.mulf %mul3A_124, %dot_general3A_123 : vector<2048x64xf32>
    %add3A_126 = arith.addf %add3A_102, %mul3A_125 : vector<2048x64xf32>
    %get3A_127 = arith.constant 384 : index
    %get3A_128 = arith.constant 0 : index
    %get3A_129 = vector.load %arg6[%get3A_127, %get3A_128] : memref<512x64xf32, #tpu.memory_space<vmem>>, vector<128x64xf32>
    %dot_general3A_130 = arith.constant dense<0.000000e+00> : vector<2048x64xf32>
    %dot_general3A_131 = tpu.matmul %get3A_4, %get3A_129, %dot_general3A_130 {dimension_numbers = #tpu.dot_dimension_numbers<[1], [0], [0], [1], [0, 0, 1, 1], [], []>, transpose_lhs_hint = false} : vector<2048x128xf32>, vector<128x64xf32>, vector<2048x64xf32> -> vector<2048x64xf32>
    %mul3A_132 = vector.broadcast %convert_element_type3A_118 : vector<2048x1xf32> to vector<2048x64xf32>
    %mul3A_133 = arith.mulf %mul3A_132, %dot_general3A_131 : vector<2048x64xf32>
    %add3A_134 = arith.addf %add3A_126, %mul3A_133 : vector<2048x64xf32>
    %max3A = arith.constant 0.000000e+00 : f32
    %max3A_135 = vector.broadcast %max3A : f32 to vector<2048x64xf32>
    %max3A_136 = arith.maximumf %add3A_134, %max3A_135 : vector<2048x64xf32>
    %get3A_137 = arith.constant 0 : index
    %get3A_138 = arith.constant 0 : index
    %get3A_139 = vector.load %arg8[%get3A_137, %get3A_138] : memref<64x32xf32, #tpu.memory_space<vmem>>, vector<64x32xf32>
    %dot_general3A_140 = arith.constant dense<0.000000e+00> : vector<2048x32xf32>
    %dot_general3A_141 = tpu.matmul %max3A_136, %get3A_139, %dot_general3A_140 {dimension_numbers = #tpu.dot_dimension_numbers<[1], [0], [0], [1], [0, 0, 1, 1], [], []>, transpose_lhs_hint = false} : vector<2048x64xf32>, vector<64x32xf32>, vector<2048x32xf32> -> vector<2048x32xf32>
    %get3A_142 = arith.constant 0 : index
    %get3A_143 = arith.constant 0 : index
    %get3A_144 = vector.load %arg9[%get3A_142, %get3A_143] : memref<1x32xf32, #tpu.memory_space<vmem>>, vector<1x32xf32>
    %add3A_145 = vector.broadcast %get3A_144 : vector<1x32xf32> to vector<2048x32xf32>
    %add3A_146 = arith.addf %dot_general3A_141, %add3A_145 : vector<2048x32xf32>
    %max3A_147 = arith.constant 0.000000e+00 : f32
    %max3A_148 = vector.broadcast %max3A_147 : f32 to vector<2048x32xf32>
    %max3A_149 = arith.maximumf %add3A_146, %max3A_148 : vector<2048x32xf32>
    %get3A_150 = arith.constant 0 : index
    %get3A_151 = arith.constant 0 : index
    %get3A_152 = vector.load %arg10[%get3A_150, %get3A_151] : memref<1x32xf32, #tpu.memory_space<vmem>>, vector<1x32xf32>
    %mul3A_153 = vector.broadcast %get3A_152 : vector<1x32xf32> to vector<2048x32xf32>
    %mul3A_154 = arith.mulf %max3A_149, %mul3A_153 : vector<2048x32xf32>
    %reduce_sum3A = arith.constant dense<0.000000e+00> : vector<2048xf32>
    %reduce_sum3A_155 = vector.multi_reduction <add>, %mul3A_154, %reduce_sum3A [1] : vector<2048x32xf32> to vector<2048xf32>
    %broadcast_in_dim3A_156 = vector.shape_cast %reduce_sum3A_155 : vector<2048xf32> to vector<2048x1xf32>
    %get3A_157 = arith.constant 0 : index
    %get3A_158 = arith.constant 0 : index
    %get3A_159 = vector.load %arg11[%get3A_157, %get3A_158] : memref<1x1xf32, #tpu.memory_space<vmem>>, vector<1x1xf32>
    %add3A_160 = vector.broadcast %get3A_159 : vector<1x1xf32> to vector<2048x1xf32>
    %add3A_161 = arith.addf %broadcast_in_dim3A_156, %add3A_160 : vector<2048x1xf32>
    %logistic3A = arith.negf %add3A_161 : vector<2048x1xf32>
    %logistic3A_162 = math.exp %logistic3A : vector<2048x1xf32>
    %logistic3A_163 = arith.constant 1.000000e+00 : f32
    %logistic3A_164 = vector.broadcast %logistic3A_163 : f32 to vector<2048x1xf32>
    %logistic3A_165 = arith.addf %logistic3A_164, %logistic3A_162 : vector<2048x1xf32>
    %logistic3A_166 = arith.divf %logistic3A_164, %logistic3A_165 : vector<2048x1xf32>
    %swap3A = arith.constant 0 : index
    %swap3A_167 = arith.constant 0 : index
    %swap3A_168 = vector.load %arg12[%swap3A, %swap3A_167] : memref<2048x1xf32, #tpu.memory_space<vmem>>, vector<2048x1xf32>
    tpu.vector_store %arg12[%swap3A, %swap3A_167], %logistic3A_166 {strides = array<i32>} : memref<2048x1xf32, #tpu.memory_space<vmem>>, vector<2048x1xf32>,
    return
  }
  func.func @transform_0(%arg0: i32) -> (i32, i32) {
    %c0_i32 = arith.constant 0 : i32
    %c0_i32_0 = arith.constant 0 : i32
    return %arg0, %c0_i32 : i32, i32
  }
  func.func @transform_1(%arg0: i32) -> (i32, i32) {
    %c0_i32 = arith.constant 0 : i32
    %c0_i32_0 = arith.constant 0 : i32
    return %arg0, %c0_i32 : i32, i32
  }
  func.func @transform_2(%arg0: i32) -> (i32, i32) {
    %c0_i32 = arith.constant 0 : i32
    %c0_i32_0 = arith.constant 0 : i32
    return %arg0, %c0_i32 : i32, i32
  }
  func.func @transform_3(%arg0: i32) -> (i32, i32) {
    %c0_i32 = arith.constant 0 : i32
    %c0_i32_0 = arith.constant 0 : i32
    return %arg0, %c0_i32 : i32, i32
  }
  func.func @transform_4(%arg0: i32) -> (i32, i32) {
    %c0_i32 = arith.constant 0 : i32
    %c0_i32_0 = arith.constant 0 : i32
    %c0_i32_1 = arith.constant 0 : i32
    return %c0_i32, %c0_i32_0 : i32, i32
  }
  func.func @transform_5(%arg0: i32) -> (i32, i32) {
    %c0_i32 = arith.constant 0 : i32
    %c0_i32_0 = arith.constant 0 : i32
    %c0_i32_1 = arith.constant 0 : i32
    return %c0_i32, %c0_i32_0 : i32, i32
  }
  func.func @transform_6(%arg0: i32) -> (i32, i32) {
    %c0_i32 = arith.constant 0 : i32
    %c0_i32_0 = arith.constant 0 : i32
    %c0_i32_1 = arith.constant 0 : i32
    return %c0_i32, %c0_i32_0 : i32, i32
  }
  func.func @transform_7(%arg0: i32) -> (i32, i32) {
    %c0_i32 = arith.constant 0 : i32
    %c0_i32_0 = arith.constant 0 : i32
    %c0_i32_1 = arith.constant 0 : i32
    return %c0_i32, %c0_i32_0 : i32, i32
  }
  func.func @transform_8(%arg0: i32) -> (i32, i32) {
    %c0_i32 = arith.constant 0 : i32
    %c0_i32_0 = arith.constant 0 : i32
    %c0_i32_1 = arith.constant 0 : i32
    return %c0_i32, %c0_i32_0 : i32, i32
  }
  func.func @transform_9(%arg0: i32) -> (i32, i32) {
    %c0_i32 = arith.constant 0 : i32
    %c0_i32_0 = arith.constant 0 : i32
    %c0_i32_1 = arith.constant 0 : i32
    return %c0_i32, %c0_i32_0 : i32, i32
  }
  func.func @transform_10(%arg0: i32) -> (i32, i32) {
    %c0_i32 = arith.constant 0 : i32
    %c0_i32_0 = arith.constant 0 : i32
    %c0_i32_1 = arith.constant 0 : i32
    return %c0_i32, %c0_i32_0 : i32, i32
  }
  func.func @transform_11(%arg0: i32) -> (i32, i32) {
    %c0_i32 = arith.constant 0 : i32
    %c0_i32_0 = arith.constant 0 : i32
    return %arg0, %c0_i32 : i32, i32
  }
}

</mosaic_0001>

<sc_bundles>
// kernel: kernel.4.cloned.1.call-start
scs
__scs_entry_jumppad:
0x0: {  	(pc) =	sbr.rel $0x88, $3  }
0x1: {  	(tag) =	ssettag $0x0;
	lr =	simm.s32 $0x1  }
0x2: {  	[smem:$0x3F97] =	sst lr;
	_ =	strace $0xD0000000  }
0x3: {  	_ = 	snop  }
0x4: {  	_ = 	snop  }
0x5: {  	_ = 	snop  }
0x6: {  	_ = 	snop  }
0x7: {  	_ = 	snop  }
__scs_overlays_trampoline_lowered:
0x8: {  	[smem:$0x3FA6] =	sst s0  }
0x9: {  	[smem:$0x3FA7] =	sst s1  }
0xa: {  	[smem:$0x3FA8] =	sst s2  }
0xb: {  	[smem:$0x3FA9] =	sst s3  }
0xc: {  	[smem:$0x3FAA] =	sst s4  }
0xd: {  	[smem:$0x3FAB] =	sst s5  }
0xe: {  	[smem:$0x3FAC] =	sst s6  }
0xf: {  	[smem:$0x3FAD] =	sst s7  }
0x10: {  	[smem:$0x3FAE] =	sst s8  }
0x11: {  	[smem:$0x3FAF] =	sst s9;
	s0 =	simm.s32 @!p0 $0x0  }
0x12: {  	s1 =	sld [smem:$0x3F95];
	s0 =	simm.s32 @p0 $0x1  }
0x13: {  	[smem:$0x3FB0] =	sst s0;
	s0 =	simm.s32 @!p1 $0x0  }
0x14: {  	s2 =	sld [smem:$0x3F94];
	s0 =	simm.s32 @p1 $0x1  }
0x15: {  	[smem:$0x3FB1] =	sst s0;
	s0 =	simm.s32 @!p2 $0x0  }
0x16: {  	s3 =	sld [smem:$0x3FDB];
	s0 =	simm.s32 @p2 $0x1  }
0x17: {  	s4 =	simm.s32 $0x1BF5;
	[smem:$0x3FB3] =	sst s0  }
0x18: {  	s0 =	sld [smem:$0x3F96];
	_ =	swait.ge [sflag:s4], $0x0  }
0x19: {  	s7 =	sld [smem:$0x3F97]  }
0x1a: {  	s8 =	sadd.s32 $0xFFFFE003, lr  }
0x1b: {  	s9 =	sadd.s32 $0xFFFFFEF7, lr;
	s5 =	simm.s32 $0xFFFFFFFF;
	p2 =	slt.u32 s8, $0xFFFFF086  }
0x1c: {  	p1 =	slt.u32 s9, $0xF7A;
	s5 =	simm.s32 @!p2 $0x0  }
0x1d: {  	s5 =	simm.s32 @p1 $0x1;
	p0 =	seq.s32 s7, s2  }
0x1e: {  	s7 =	smul.u32 @!p0 $0xF7A, s2;
	p2 =	seq.s32 @!p0 s5, $0x0  }
0x1f: {  	s9 =	smul.u32 $0xF7A, s1;
	s8 =	simm.s32 @!p0 $0x1BF5;
	p2 =	por !p2, p0  }
0x20: {  	[sflag:s8] =	ssyncset.s32 @!p0 $0xFFFFF086;
	s6 =	sadd.s32 @!p0 s3, s7;
	s7 =	simm.s32 @!p0 $0x108  }
0x21: {  	s3 =	sadd.s32 s3, s9;
	s6 =	sadd.s32 @!p0 $0x88, s6;
	s7 =	simm.s32 @p2 $0x1082  }
0x22: {  	[simem:s7], [sflag:s8] =	dma.local @!p0 [hbm:s6], $0xF7A  }
0x23: {  	s9 =	sor.u32 $0xD0000000, s2;
	s6 =	simm.s32 $0x108;
	_ =	swait.ge @!p0 [sflag:s8], $0x0  }
0x24: {  	s3 =	sadd.s32 $0x88, s3;
	s6 =	simm.s32 @!p1 $0x1082;
	[sflag:s4] =	ssyncset.s32 $0xFFFFF086  }
0x25: {  	[simem:s6], [sflag:s4] =	dma.local [hbm:s3], $0xF7A  }
0x26: {  	[smem:$0x3F97] =	sst s1;
	(tag) =	ssettag s2;
	_ =	strace s9  }
0x27: {  	s1 =	sld [smem:$0x3FA7]  }
0x28: {  	s2 =	sld [smem:$0x3FA8]  }
0x29: {  	s4 =	sld [smem:$0x3FAA]  }
0x2a: {  	p0 =	seq.s32 s5, $0x0;
	s5 =	sld [smem:$0x3FAB]  }
0x2b: {  	s6 =	sld [smem:$0x3FAC]  }
0x2c: {  	s7 =	sld [smem:$0x3FAD]  }
0x2d: {  	s3 =	simm.s32 $0x108;
	s8 =	sld [smem:$0x3FAE]  }
0x2e: {  	s3 =	simm.s32 @!p0 $0x1082;
	s9 =	sld [smem:$0x3FAF]  }
0x2f: {  	lr =	sadd.s32 s0, s3;
	s0 =	sld [smem:$0x3FA6]  }
0x30: {  	s3 =	sld [smem:$0x3FA9]  }
0x31: {  	[smem:$0x3FB2] =	sst s10  }
0x32: {  	s10 =	sld [smem:$0x3FB0];
	_ =	sdelay $0x3  }
0x33: {  	p0 =	seq.s32 s10, $0x1;
	s10 =	sld [smem:$0x3FB2];
	_ =	sdelay $0x3  }
0x34: {  	[smem:$0x3FB2] =	sst s10  }
0x35: {  	s10 =	sld [smem:$0x3FB1];
	_ =	sdelay $0x3  }
0x36: {  	p1 =	seq.s32 s10, $0x1;
	s10 =	sld [smem:$0x3FB2];
	_ =	sdelay $0x3  }
0x37: {  	[smem:$0x3FB2] =	sst s10  }
0x38: {  	s10 =	sld [smem:$0x3FB3]  }
0x39: {  	_ = 	snop;
	(pc) =	sbr.ind lr, $3  }
0x3a: {  	_ = 	snop  }
0x3b: {  	_ = 	snop  }
0x3c: {  	p2 =	seq.s32 s10, $0x1;
	s10 =	sld [smem:$0x3FB2]  }
0x3d: {  	_ =	shalt  }
0x3e: {  	_ =	shalt  }
0x3f: {  	_ =	shalt  }
0x40: {  	_ =	shalt  }
0x41: {  	_ =	shalt  }
0x42: {  	_ =	shalt  }
0x43: {  	_ =	shalt  }
0x44: {  	_ =	shalt  }
0x45: {  	_ =	shalt  }
0x46: {  	_ =	shalt  }
0x47: {  	_ =	shalt  }
0x48: {  	_ =	shalt  }
0x49: {  	_ =	shalt  }
0x4a: {  	_ =	shalt  }
0x4b: {  	_ =	shalt  }
0x4c: {  	_ =	shalt  }
0x4d: {  	_ =	shalt  }
0x4e: {  	_ =	shalt  }
0x4f: {  	_ =	shalt  }
0x50: {  	_ =	shalt  }
0x51: {  	_ =	shalt  }
0x52: {  	_ =	shalt  }
0x53: {  	_ =	shalt  }
0x54: {  	_ =	shalt  }
0x55: {  	_ =	shalt  }
0x56: {  	_ =	shalt  }
0x57: {  	_ =	shalt  }
0x58: {  	_ =	shalt  }
0x59: {  	_ =	shalt  }
0x5a: {  	_ =	shalt  }
0x5b: {  	_ =	shalt  }
0x5c: {  	_ =	shalt  }
0x5d: {  	_ =	shalt  }
0x5e: {  	_ =	shalt  }
0x5f: {  	_ =	shalt  }
0x60: {  	_ =	shalt  }
0x61: {  	_ =	shalt  }
0x62: {  	_ =	shalt  }
0x63: {  	_ =	shalt  }
0x64: {  	_ =	shalt  }
0x65: {  	_ =	shalt  }
0x66: {  	_ =	shalt  }
0x67: {  	_ =	shalt  }
0x68: {  	_ =	shalt  }
0x69: {  	_ =	shalt  }
0x6a: {  	_ =	shalt  }
0x6b: {  	_ =	shalt  }
0x6c: {  	_ =	shalt  }
0x6d: {  	_ =	shalt  }
0x6e: {  	_ =	shalt  }
0x6f: {  	_ =	shalt  }
0x70: {  	_ =	shalt  }
0x71: {  	_ =	shalt  }
0x72: {  	_ =	shalt  }
0x73: {  	_ =	shalt  }
0x74: {  	_ =	shalt  }
0x75: {  	_ =	shalt  }
0x76: {  	_ =	shalt  }
0x77: {  	_ =	shalt  }
0x78: {  	_ =	shalt  }
0x79: {  	_ =	shalt  }
0x7a: {  	_ =	shalt  }
0x7b: {  	_ =	shalt  }
0x7c: {  	_ =	shalt  }
0x7d: {  	_ =	shalt  }
0x7e: {  	_ =	shalt  }
0x7f: {  	_ =	shalt  }
0x80: {  	_ =	shalt  }
0x81: {  	_ =	shalt  }
0x82: {  	_ =	shalt  }
0x83: {  	_ =	shalt  }
0x84: {  	_ =	shalt  }
0x85: {  	_ =	shalt  }
0x86: {  	_ =	shalt  }
0x87: {  	_ =	shalt  }
.Lfunc_end0:
.L_simem_size_0:
called_computation_lowered:
.L_overlay_start_0:
0x88: {  	s2 =	sld [smem:$0x3FD9]  }
0x89: {  	s3 =	sld [smem:$0x3FFE];
	_ =	sdelay $0x1  }
0x8a: {  	s1 =	srdreg.scid  }
0x8b: {  	s0 =	sand.u32 $0x1, s1  }
0x8c: {  	s16 =	sshll.u32 s0, $0xA;
	s2 =	sadd.s32 s3, s2  }
0x8d: {  	s2 =	sadd.s32 s2, s16  }
0x8e: {  	[smem:$0x3FBE] =	sst s2  }
0x8f: {  	_ = 	snop  }
0x90: {  	(tm) =	ssettm $0x1  }
0x91: {  	s17 =	sld [smem:$0x3FFB];
	_ =	sdelay $0x3  }
0x92: {  	_ =	strace s17  }
0x93: {  	s2 =	sld [smem:$0x3FFC];
	_ =	sdelay $0x3  }
0x94: {  	_ =	strace s2  }
0x95: {  	s2 =	sld [smem:$0x3FFD];
	_ =	sdelay $0x3  }
0x96: {  	_ =	strace s2  }
0x97: {  	_ =	strace $0x8FFFFFFF  }
0x98: {  	s18 =	sld [smem:$0x3FDB];
	_ =	sdelay $0x1  }
0x99: {  	s19 =	simm.s32 $_scs_section_size  }
0x9a: {  	s4 =	simm.s32 $_size__tile_overlayer_lowered;
	s5 =	simm.s32 $_tile_overlayer_lowered  }
0x9b: {  	s22 =	simm.s32 $0x1BFF;
	s21 =	sshll.u32 s5, $0x1;
	s2 =	sadd.s32 s19, s18  }
0x9c: {  	s6 =	simm.s32 $0x0;
	s20 =	sshll.u32 s4, $0x1;
	s4 =	sadd.s32 s21, s2  }
0x9d: {  	[timem:s6], [sflag:s22] =	dma.local [hbm:s4], s20  }
0x9e: {  	_ =	swait.ge [sflag:s22], s20  }
0x9f: {  	s3 =	ssub.s32 $0x0, s20;
	[sflag:s22] =	ssyncset.done $0x0  }
0xa0: {  	[sflag:s22] =	ssyncadd.s32 s3;
	_ =	sdelay $0x1  }
0xa1: {  	s23 =	simm.s32 $0x1B8B  }
0xa2: {  	_ =	swait.ge [sflag:s23], $0x1  }
0xa3: {  	[sflag:s23] =	ssyncset.done $0x0  }
0xa4: {  	s25 =	simm.s32 $0x1B8E;
	s24 =	sld [smem:$0x3FFE];
	[sflag:s23] =	ssyncadd.s32 $0xFFFFFFFF  }
0xa5: {  	s26 =	simm.s32 $execute0_lowered;
	[smem:$0x3FD2] =	sst s25  }
0xa6: {  	s4 =	sshll.u32 s26, $0x1;
	_ =	strace $0x80000046;
	[dreg:$0x1] =	wrdreg $0xFFFFFFFF  }
0xa7: {  	s28 =	simm.s32 $_size_execute0_lowered;
	s2 =	sadd.s32 s2, s4;
	[dreg:$0x0] =	wrdreg $0x0  }
0xa8: {  	s4 =	sshll.u32 s28, $0x1;
	[dreg:$0x2] =	wrdreg s2  }
0xa9: {  	[dreg:$0x3] =	wrdreg s4  }
0xaa: {  	[dreg:$0x4] =	wrdreg $0xC0  }
0xab: {  	_ =	task [dreg:s6], $0x5FFFF  }
0xac: {  	[dreg:$0x1] =	wrdreg $0xFFFFFFFF  }
0xad: {  	[dreg:$0x0] =	wrdreg $0x60  }
0xae: {  	[dreg:$0x2] =	wrdreg s24  }
0xaf: {  	[dreg:$0x3] =	wrdreg $0x9  }
0xb0: {  	_ =	task.clear_ibuf [dreg:s6], $0x4FFFF;
	_ =	strace $0x90000046  }
0xb1: {  	s29 =	simm.s32 $0x9;
	_ =	strace $0x80000048  }
0xb2: {  	_ =	swait.ge [sflag:s29], $0x1  }
0xb3: {  	[sflag:s29] =	ssyncadd.s32 $0xFFFFFFFF  }
0xb4: {  	_ =	strace $0x90000048  }
0xb5: {  	_ =	sfence  }
0xb6: {  	s30 =	sld [smem:$0x0];
	_ =	sdelay $0x2  }
0xb7: {  	s31 =	sshll.u32 s1, $0xD;
	s1 =	sshrl.u32 s1, $0x2  }
0xb8: {  	s3 =	sand.u32 $0x4000, s31;
	s1 =	sadd.s32 s1, s30  }
0xb9: {  	s0 =	sor.u32 s3, s0;
	s1 =	sshll.u32 s1, $0x11  }
0xba: {  	s0 =	sor.u32 s1, s0  }
0xbb: {  	s0 =	sadd.s32 $0x8F2B, s0  }
0xbc: {  	[sflag:s0] =	ssyncadd.remote.s32 $0x1  }
0xbd: {  	_ =	sfence.sel $0xFFFF  }
0xbe: {  	[dreg:$0x0] =	wrdreg $0xFFFFFFFF;
	(pc) =	sbr.abs _section_cstart, $3  }
0xbf: {  	[dreg:$0x1] =	wrdreg $0xFFFFFFFF  }
0xc0: {  	_ =	task.clear_ibuf [dreg:s6], $0x2FFFF;
	_ =	strace $0x9FFFFFFF  }
0xc1: {  	(tm) =	ssettm $0x7FFFFFFF  }
tec
execute0_lowered:
.L_overlay_start_1:
0x0: {  	(tag) =	ssettag $0x1  }
0x1: {  	s1 =	srdreg.scid  }
0x2: {  	s0 =	stileid.u32;
	s11 =	sand.u32 $0x1, s1  }
0x3: {  	s30 =	sshll.u32 s0, $0xA;
	s2 =	sshll.u32 s11, $0x9  }
0x4: {  	s10 =	rddreg [dreg:$0x0];
	s8 =	sor.u32 s2, s30  }
0x5: {  	s1 =	rddreg [dreg:$0x1];
	s2 =	simm.s32 $0x0;
	s3 =	sshrl.u32 s8, $0x3  }
0x6: {  	[smem:$0x7FF] =	sst s2;
	s9 =	sadd.s32 s3, s10  }
0x7: {  	_ =	strace $0x80000047;
	s3 =	simm.s32 $0x2;
	s4 =	sadd.s32 $0x3400, s9  }
0x8: {  	[tilespmem:s2], [sflag:$0x2] =	stream.linear.gather [hbm4b:s4+s2], $0x200, $0x38;
	[tilespmem:$0x10200] =	vst v63  }
0x9: {  	_ =	swait.ge [sflag:s3], $0x200  }
0xa: {  	s6 =	simm.s32 $0x200;
	[sflag:s3] =	ssyncset.done $0x0  }
0xb: {  	s7 =	simm.s32 $0x1;
	s5 =	sadd.s32 $0x1315200, s10;
	[sflag:s3] =	ssyncadd.s32 $0xFFFFFE00  }
0xc: {  	[tilespmem:s6], [sflag:$0x1] =	stream.indirect.gather [hbm4b:s5+s6], $0x80, s2, s6, $0xb8;
	[tilespmem:$0x10200] =	vst v63  }
0xd: {  	s8 =	sshll.u32 s8, $0x4;
	_ =	swait.ge [sflag:s7], $0x10000  }
0xe: {  	s12 =	sadd.s32 s8, s10;
	[sflag:s7] =	ssyncset.done $0x0  }
0xf: {  	s8 =	sadd.s32 $0x3C00, s12;
	[sflag:s7] =	ssyncadd.s32 $0xFFFF0000  }
0x10: {  	[hbm4b:s8+s2] =	stream.linear.scatter [tilespmem:s6], [sflag:$0x2], $0x10000, $0x38;
	[tilespmem:$0x10200] =	vst v63  }
0x11: {  	_ =	swait.ge [sflag:s3], $0x10000  }
0x12: {  	[sflag:s3] =	ssyncset.done $0x0  }
0x13: {  	s11 =	ssub.s32 $0x2, s11;
	s9 =	sadd.s32 $0x2C00, s9;
	[sflag:s3] =	ssyncadd.s32 $0xFFFF0000  }
0x14: {  	[tilespmem:s2], [sflag:$0x2] =	stream.linear.gather [hbm4b:s9+s2], $0x200, $0x38;
	[tilespmem:$0x10200] =	vst v63  }
0x15: {  	s13 =	sshrl.u32 s11, $0x1;
	_ =	swait.ge [sflag:s3], $0x200  }
0x16: {  	s13 =	ssub.s32 s11, s13;
	[sflag:s3] =	ssyncset.done $0x0  }
0x17: {  	s10 =	sadd.s32 $0xF44800, s10;
	s31 =	smax.u32 s13, $0x1;
	[sflag:s3] =	ssyncadd.s32 $0xFFFFFE00  }
0x18: {  	[tilespmem:s6], [sflag:$0x1] =	stream.indirect.gather [hbm4b:s10+s6], $0x80, s2, s6, $0xb8;
	[tilespmem:$0x10200] =	vst v63  }
0x19: {  	p0 =	sne.s32 s31, $0x1;
	_ =	swait.ge [sflag:s7], $0x10000  }
.Ltmp0:
0x1a: {  	[sflag:s7] =	ssyncset.done $0x0;
	(pc) =	sbr.rel @!p0 .LBB2_2-.Ltmp0, $4  }
0x1b: {  	s11 =	sadd.s32 $0x43C00, s12;
	[sflag:s7] =	ssyncadd.s32 $0xFFFF0000  }
0x1c: {  	[hbm4b:s11+s2] =	stream.linear.scatter [tilespmem:s6], [sflag:$0x2], $0x10000, $0x38;
	[tilespmem:$0x10200] =	vst v63  }
0x1d: {  	_ =	swait.ge [sflag:s3], $0x10000  }
0x1e: {  	s12 =	sadd.s32 $0xFFFFFFFF, s31;
	[sflag:s3] =	ssyncset.done $0x0  }
.LBB2_1:
0x1f: {  	p0 =	sne.s32 s12, $0x1;
	s12 =	sadd.s32 $0xFFFFFFFF, s12;
	[sflag:s3] =	ssyncadd.s32 $0xFFFF0000  }
0x20: {  	[tilespmem:s2], [sflag:$0x2] =	stream.linear.gather [hbm4b:s4+s2], $0x200, $0x38;
	[tilespmem:$0x10200] =	vst v63  }
0x21: {  	_ =	swait.ge [sflag:s3], $0x200  }
0x22: {  	[sflag:s3] =	ssyncset.done $0x0  }
0x23: {  	[sflag:s3] =	ssyncadd.s32 $0xFFFFFE00  }
0x24: {  	[tilespmem:s6], [sflag:$0x1] =	stream.indirect.gather [hbm4b:s5+s6], $0x80, s2, s6, $0xb8;
	[tilespmem:$0x10200] =	vst v63  }
0x25: {  	_ =	swait.ge [sflag:s7], $0x10000  }
0x26: {  	[sflag:s7] =	ssyncset.done $0x0  }
0x27: {  	[sflag:s7] =	ssyncadd.s32 $0xFFFF0000  }
0x28: {  	[hbm4b:s8+s2] =	stream.linear.scatter [tilespmem:s6], [sflag:$0x2], $0x10000, $0x38;
	[tilespmem:$0x10200] =	vst v63  }
0x29: {  	_ =	swait.ge [sflag:s3], $0x10000  }
0x2a: {  	[sflag:s3] =	ssyncset.done $0x0  }
0x2b: {  	[sflag:s3] =	ssyncadd.s32 $0xFFFF0000  }
0x2c: {  	[tilespmem:s2], [sflag:$0x2] =	stream.linear.gather [hbm4b:s9+s2], $0x200, $0x38;
	[tilespmem:$0x10200] =	vst v63  }
0x2d: {  	_ =	swait.ge [sflag:s3], $0x200  }
0x2e: {  	[sflag:s3] =	ssyncset.done $0x0  }
0x2f: {  	[sflag:s3] =	ssyncadd.s32 $0xFFFFFE00  }
0x30: {  	[tilespmem:s6], [sflag:$0x1] =	stream.indirect.gather [hbm4b:s10+s6], $0x80, s2, s6, $0xb8;
	[tilespmem:$0x10200] =	vst v63  }
0x31: {  	_ =	swait.ge [sflag:s7], $0x10000  }
.Ltmp1:
0x32: {  	[sflag:s7] =	ssyncset.done $0x0;
	(pc) =	sbr.rel @p0 .LBB2_1-.Ltmp1, $4  }
0x33: {  	[sflag:s7] =	ssyncadd.s32 $0xFFFF0000  }
0x34: {  	[hbm4b:s11+s2] =	stream.linear.scatter [tilespmem:s6], [sflag:$0x2], $0x10000, $0x38;
	[tilespmem:$0x10200] =	vst v63  }
0x35: {  	_ =	swait.ge [sflag:s3], $0x10000  }
0x36: {  	[sflag:s3] =	ssyncset.done $0x0  }
.LBB2_2:
0x37: {  	[sflag:s3] =	ssyncadd.s32 $0xFFFF0000  }
0x38: {  	_ =	sfence.sel $0x180000  }
0x39: {  	[bflag:$0x0] =	sbarrier.arrive $0xFFFF  }
0x3a: {  	p0 =	sne.s32 s0, $0x0;
	_ =	strace $0x90000047  }
0x3b: {  	s0 =	sadd.s32 @!p0 $0x100000, s1;
	[bflag:$0x2] =	sbarrier.arrive $0xFFFF  }
0x3c: {  	[sflag:s0] =	ssyncadd.tile.s32 @!p0 $0x1;
	_ =	shalt  }
.Lfunc_end2:
_tile_overlayer_lowered:
.L_overlay_start_2:
0x3d: {  	(tag) =	ssettag $0x2  }
0x3e: {  	s0 =	rddreg [dreg:$0x0];
	s2 =	stileid.u32  }
0x3f: {  	s1 =	rddreg [dreg:$0x1];
	p0 =	sne.s32 s2, $0x0  }
0x40: {  	s3 =	rddreg [dreg:$0x2];
	[bflag:$0x3] =	sbarrier.arrive $0xFFFF;
	s2 =	simm.s32 @!p0 $0x1C02  }
0x41: {  	[timem:s3], [sflag:s2] =	dma.local @!p0 [hbm:s0], s1  }
0x42: {  	s0 =	simm.s32 @!p0 $0x2  }
0x43: {  	_ =	swait.ge @!p0 [sflag:s0], s1  }
0x44: {  	s1 =	ssub.s32 @!p0 $0x0, s1;
	[sflag:s0] =	ssyncset.done @!p0 $0x0  }
0x45: {  	[sflag:s0] =	ssyncadd.s32 @!p0 s1  }
0x46: {  	[bflag:$0x3] =	sbarrier.arrive $0xFFFF  }
0x47: {  	_ =	shalt  }

</sc_bundles>
